<compile_context>
chip_gen: v7x
topology: tpu7x:2x2x1
jax: 0.10.2.dev20260603
libtpu: 0.0.44.dev20260713+nightly
codegen_flags: <defaults>
</compile_context>

<pallas_src>
import functools

import jax
import jax.numpy as jnp
from jax import lax
from jax.experimental import pallas as pl
from jax.experimental.pallas import tpu as pltpu
from jax.experimental.pallas import tpu_sc as plsc

VOCAB = 37
HIDDEN = 128
NC, NS = 2, 16
NW = NC * NS
B = 4096 * 200
CHUNK = 128
NROWS = B // CHUNK
NCHUNK = NROWS // NW
NBUF = 6
LOOKAHEAD = 4


def _body(idx_hbm, table_hbm, out_hbm, idx_v, rows_v, table_sp, gsem, wsem):
    sid = lax.axis_index("s")
    wid = sid * NC + lax.axis_index("c")
    first = wid * NCHUNK

    @pl.when(sid == 0)
    def _():
        pltpu.sync_copy(table_hbm, table_sp)

    pltpu.sync_copy(idx_hbm.at[pl.ds(first, NCHUNK)], idx_v)
    plsc.subcore_barrier()

    for p in range(LOOKAHEAD):
        pltpu.async_copy(table_sp.at[idx_v.at[p]], rows_v.at[p], gsem.at[p])

    def chunk_body(j, carry):
        b = lax.rem(j, NBUF)

        @pl.when(j + LOOKAHEAD < NCHUNK)
        def _():
            nb = lax.rem(j + LOOKAHEAD, NBUF)

            @pl.when(j + LOOKAHEAD >= NBUF)
            def _():
                pltpu.make_async_copy(rows_v.at[nb], out_hbm.at[first], wsem.at[nb]).wait()

            pltpu.async_copy(table_sp.at[idx_v.at[j + LOOKAHEAD]], rows_v.at[nb], gsem.at[nb])

        pltpu.make_async_copy(table_sp.at[idx_v.at[j]], rows_v.at[b], gsem.at[b]).wait()
        pltpu.async_copy(rows_v.at[b], out_hbm.at[first + j], wsem.at[b])
        return carry

    lax.fori_loop(0, NCHUNK, chunk_body, 0)
    for p in range(NBUF):
        pltpu.make_async_copy(rows_v.at[p], out_hbm.at[first], wsem.at[p]).wait()


@functools.cache
def _make_sc_gather():
    return pl.kernel(
        _body,
        out_type=jax.ShapeDtypeStruct((NROWS, CHUNK, HIDDEN), jnp.float32),
        mesh=plsc.VectorSubcoreMesh(
            core_axis_name="c", subcore_axis_name="s", num_cores=NC, num_subcores=NS
        ),
        scratch_types=[
            pltpu.VMEM((NCHUNK, CHUNK), jnp.int32),
            pltpu.VMEM((NBUF, CHUNK, HIDDEN), jnp.float32),
            pltpu.VMEM_SHARED((VOCAB, HIDDEN), jnp.float32),
            pltpu.SemaphoreType.DMA((NBUF,)),
            pltpu.SemaphoreType.DMA((NBUF,)),
        ],
    )


def kernel(indices, table):
    mask = jnp.ones((VOCAB, 1), dtype=table.dtype).at[0].set(0.0)
    table = table * mask
    idx = indices.reshape(NROWS, CHUNK).astype(jnp.int32)
    out = _make_sc_gather()(idx, table)
    return out.reshape(indices.shape[0], indices.shape[1], HIDDEN)

# --- scband reference (transcript-rebuilt; emitter-appended) ---
"""Pipeline reference for scband-output-embedding-16527034155426 (READ-ONLY COPY).

The authoritative reference and input builder live on the scoring server;
editing this copy changes nothing except your own understanding.
"""

import jax, jax.numpy as jnp
import numpy as np

VOCAB = 37
HIDDEN = 128

def setup_inputs(seed: int = 0) -> dict:
    key = jax.random.key(seed)
    k1, k2 = jax.random.split(key)
    indices = jax.random.randint(k1, (4096, 200), 0, VOCAB)
    table = jax.random.normal(k2, (VOCAB, HIDDEN), dtype=jnp.float32)
    # padding_idx=0: embedding row 0 is zeros
    table = table.at[0].set(0.0)
    return {"indices": indices, "table": table}

def reference(indices, table):
    # nn.Embedding lookup with padding_idx=0 (row 0 forced to zero)
    mask = jnp.ones((table.shape[0], 1), dtype=table.dtype).at[0].set(0.0)
    emb = jnp.take(table * mask, indices, axis=0)
    return emb

if __name__ == "__main__":
    import jax
    _d = setup_inputs()
    print(jax.jit(kernel)(*tuple(_d.values())))

</pallas_src>

<mosaic_0001>
#map = affine_map<(d0, d1) -> (0, 0)>
#map1 = affine_map<(d0, d1) -> (0, 0, 0)>
module attributes {stable_mosaic.version = 14 : i64} {
  func.func @_body(%arg0: i32, %arg1: i32, %arg2: memref<6400x128xi32, #tpu.memory_space<hbm>>, %arg3: memref<37x128xf32, #tpu.memory_space<hbm>>, %arg4: memref<6400x128x128xf32, #tpu.memory_space<hbm>>, %arg5: memref<200x128xi32, #tpu.memory_space<vmem>>, %arg6: memref<6x128x128xf32, #tpu.memory_space<vmem>>, %arg7: memref<37x128xf32, #tpu.memory_space<vmem_shared>>, %arg8: memref<6x!tpu.dma_semaphore, #tpu.memory_space<semaphore_mem>>, %arg9: memref<6x!tpu.dma_semaphore, #tpu.memory_space<semaphore_mem>>) attributes {dimension_semantics = [#tpu.dimension_semantics<core_parallel>, #tpu.dimension_semantics<subcore_parallel>], iteration_bounds = array<i64: 2, 16>, scalar_prefetch = 0 : i64, scratch_operands = 5 : i64, tpu.core_type = #tpu.core_type<sc_vector_subcore>, window_params = [{transform_indices = #map}, {transform_indices = #map}, {transform_indices = #map1}]} {
    %mul3A = arith.constant 2 : i32
    %mul3A_0 = arith.muli %arg1, %mul3A : i32
    %add3A = arith.addi %mul3A_0, %arg0 : i32
    %mul3A_1 = arith.constant 200 : i32
    %mul3A_2 = arith.muli %add3A, %mul3A_1 : i32
    %eq3A = arith.constant 0 : i32
    %eq3A_3 = arith.cmpi eq, %arg1, %eq3A : i32
    %convert_element_type3A = arith.extui %eq3A_3 : i1 to i32
    %cond3A = arith.constant 0 : i32
    %cond3A_4 = arith.cmpi ne, %convert_element_type3A, %cond3A : i32
    scf.if %cond3A_4 {
      "tpu.region"() ({
        %run_scoped3A = tpu.sem_alloc : memref<!tpu.dma_semaphore, #tpu.memory_space<semaphore_mem>>
        tpu.enqueue_dma source(%arg3 : memref<37x128xf32, #tpu.memory_space<hbm>>) target(%arg7 : memref<37x128xf32, #tpu.memory_space<vmem_shared>>) target_semaphore(%run_scoped3A : memref<!tpu.dma_semaphore, #tpu.memory_space<semaphore_mem>>)
        tpu.wait_dma2 semaphore(%run_scoped3A : memref<!tpu.dma_semaphore, #tpu.memory_space<semaphore_mem>>) src(%arg3 : memref<37x128xf32, #tpu.memory_space<hbm>>) dst(%arg7 : memref<37x128xf32, #tpu.memory_space<vmem_shared>>)
        tpu.yield
      }) : () -> ()
    } else {
    }
    "tpu.region"() ({
      %run_scoped3A = tpu.sem_alloc : memref<!tpu.dma_semaphore, #tpu.memory_space<semaphore_mem>>
      %dma_start3A_188 = arith.constant 0 : i32
      %dma_start3A_189 = tpu.memref_slice %arg2[%mul3A_2, %dma_start3A_188] : memref<6400x128xi32, #tpu.memory_space<hbm>> -> memref<200x128xi32, #tpu.memory_space<hbm>>
      %dma_start3A_190 = arith.constant 0 : i32
      %dma_start3A_191 = tpu.memref_slice %arg2[%mul3A_2, %dma_start3A_190] : memref<6400x128xi32, #tpu.memory_space<hbm>> -> memref<200x128xi32, #tpu.memory_space<hbm>>
      tpu.enqueue_dma source(%dma_start3A_191 : memref<200x128xi32, #tpu.memory_space<hbm>>) target(%arg5 : memref<200x128xi32, #tpu.memory_space<vmem>>) target_semaphore(%run_scoped3A : memref<!tpu.dma_semaphore, #tpu.memory_space<semaphore_mem>>)
      %dma_wait3A_192 = arith.constant 0 : i32
      %dma_wait3A_193 = tpu.memref_slice %arg2[%mul3A_2, %dma_wait3A_192] : memref<6400x128xi32, #tpu.memory_space<hbm>> -> memref<200x128xi32, #tpu.memory_space<hbm>>
      %dma_wait3A_194 = arith.constant 0 : i32
      %dma_wait3A_195 = tpu.memref_slice %arg2[%mul3A_2, %dma_wait3A_194] : memref<6400x128xi32, #tpu.memory_space<hbm>> -> memref<200x128xi32, #tpu.memory_space<hbm>>
      tpu.wait_dma2 semaphore(%run_scoped3A : memref<!tpu.dma_semaphore, #tpu.memory_space<semaphore_mem>>) src(%dma_wait3A_195 : memref<200x128xi32, #tpu.memory_space<hbm>>) dst(%arg5 : memref<200x128xi32, #tpu.memory_space<vmem>>)
      tpu.yield
    }) : () -> ()
    %barrier3A = arith.constant 0 : index
    tpu.barrier barrier_id(%barrier3A)
    %dma_start3A = arith.constant 0 : i32
    %dma_start3A_5 = arith.constant 0 : i32
    %dma_start3A_6 = arith.constant 0 : i32
    %dma_start3A_7 = arith.constant 0 : i32
    %dma_start3A_8 = arith.constant 0 : i32
    %dma_start3A_9 = tpu.memref_slice %arg6[%dma_start3A_5, %dma_start3A_7, %dma_start3A_8] : memref<6x128x128xf32, #tpu.memory_space<vmem>> -> memref<1x128x128xf32, #tpu.memory_space<vmem>>
    %dma_start3A_10 = tpu.memref_squeeze %dma_start3A_9 : memref<1x128x128xf32, #tpu.memory_space<vmem>> -> memref<128x128xf32, #tpu.memory_space<vmem>>
    %dma_start3A_11 = arith.constant 0 : i32
    %dma_start3A_12 = tpu.memref_slice %arg5[%dma_start3A, %dma_start3A_11] : memref<200x128xi32, #tpu.memory_space<vmem>> -> memref<1x128xi32, #tpu.memory_space<vmem>>
    %dma_start3A_13 = tpu.memref_squeeze %dma_start3A_12 : memref<1x128xi32, #tpu.memory_space<vmem>> -> memref<128xi32, #tpu.memory_space<vmem>>
    %dma_start3A_14 = arith.constant 0 : i32
    %dma_start3A_15 = arith.constant 0 : i32
    %dma_start3A_16 = tpu.memref_slice %arg7[%dma_start3A_14, %dma_start3A_15] : memref<37x128xf32, #tpu.memory_space<vmem_shared>> -> memref<37x128xf32, #tpu.memory_space<vmem_shared>>
    %dma_start3A_17 = tpu.memref_slice %arg8[%dma_start3A_6] : memref<6x!tpu.dma_semaphore, #tpu.memory_space<semaphore_mem>> -> memref<1x!tpu.dma_semaphore, #tpu.memory_space<semaphore_mem>>
    %dma_start3A_18 = tpu.memref_squeeze %dma_start3A_17 : memref<1x!tpu.dma_semaphore, #tpu.memory_space<semaphore_mem>> -> memref<!tpu.dma_semaphore, #tpu.memory_space<semaphore_mem>>
    tpu.enqueue_indirect_dma source(%dma_start3A_16 : memref<37x128xf32, #tpu.memory_space<vmem_shared>>) target(%dma_start3A_10 : memref<128x128xf32, #tpu.memory_space<vmem>>) offsets(%dma_start3A_13 : memref<128xi32, #tpu.memory_space<vmem>>) semaphore(%dma_start3A_18 : memref<!tpu.dma_semaphore, #tpu.memory_space<semaphore_mem>>)
    %dma_start3A_19 = arith.constant 1 : i32
    %dma_start3A_20 = arith.constant 1 : i32
    %dma_start3A_21 = arith.constant 1 : i32
    %dma_start3A_22 = arith.constant 0 : i32
    %dma_start3A_23 = arith.constant 0 : i32
    %dma_start3A_24 = tpu.memref_slice %arg6[%dma_start3A_20, %dma_start3A_22, %dma_start3A_23] : memref<6x128x128xf32, #tpu.memory_space<vmem>> -> memref<1x128x128xf32, #tpu.memory_space<vmem>>
    %dma_start3A_25 = tpu.memref_squeeze %dma_start3A_24 : memref<1x128x128xf32, #tpu.memory_space<vmem>> -> memref<128x128xf32, #tpu.memory_space<vmem>>
    %dma_start3A_26 = arith.constant 0 : i32
    %dma_start3A_27 = tpu.memref_slice %arg5[%dma_start3A_19, %dma_start3A_26] : memref<200x128xi32, #tpu.memory_space<vmem>> -> memref<1x128xi32, #tpu.memory_space<vmem>>
    %dma_start3A_28 = tpu.memref_squeeze %dma_start3A_27 : memref<1x128xi32, #tpu.memory_space<vmem>> -> memref<128xi32, #tpu.memory_space<vmem>>
    %dma_start3A_29 = arith.constant 0 : i32
    %dma_start3A_30 = arith.constant 0 : i32
    %dma_start3A_31 = tpu.memref_slice %arg7[%dma_start3A_29, %dma_start3A_30] : memref<37x128xf32, #tpu.memory_space<vmem_shared>> -> memref<37x128xf32, #tpu.memory_space<vmem_shared>>
    %dma_start3A_32 = tpu.memref_slice %arg8[%dma_start3A_21] : memref<6x!tpu.dma_semaphore, #tpu.memory_space<semaphore_mem>> -> memref<1x!tpu.dma_semaphore, #tpu.memory_space<semaphore_mem>>
    %dma_start3A_33 = tpu.memref_squeeze %dma_start3A_32 : memref<1x!tpu.dma_semaphore, #tpu.memory_space<semaphore_mem>> -> memref<!tpu.dma_semaphore, #tpu.memory_space<semaphore_mem>>
    tpu.enqueue_indirect_dma source(%dma_start3A_31 : memref<37x128xf32, #tpu.memory_space<vmem_shared>>) target(%dma_start3A_25 : memref<128x128xf32, #tpu.memory_space<vmem>>) offsets(%dma_start3A_28 : memref<128xi32, #tpu.memory_space<vmem>>) semaphore(%dma_start3A_33 : memref<!tpu.dma_semaphore, #tpu.memory_space<semaphore_mem>>)
    %dma_start3A_34 = arith.constant 2 : i32
    %dma_start3A_35 = arith.constant 2 : i32
    %dma_start3A_36 = arith.constant 2 : i32
    %dma_start3A_37 = arith.constant 0 : i32
    %dma_start3A_38 = arith.constant 0 : i32
    %dma_start3A_39 = tpu.memref_slice %arg6[%dma_start3A_35, %dma_start3A_37, %dma_start3A_38] : memref<6x128x128xf32, #tpu.memory_space<vmem>> -> memref<1x128x128xf32, #tpu.memory_space<vmem>>
    %dma_start3A_40 = tpu.memref_squeeze %dma_start3A_39 : memref<1x128x128xf32, #tpu.memory_space<vmem>> -> memref<128x128xf32, #tpu.memory_space<vmem>>
    %dma_start3A_41 = arith.constant 0 : i32
    %dma_start3A_42 = tpu.memref_slice %arg5[%dma_start3A_34, %dma_start3A_41] : memref<200x128xi32, #tpu.memory_space<vmem>> -> memref<1x128xi32, #tpu.memory_space<vmem>>
    %dma_start3A_43 = tpu.memref_squeeze %dma_start3A_42 : memref<1x128xi32, #tpu.memory_space<vmem>> -> memref<128xi32, #tpu.memory_space<vmem>>
    %dma_start3A_44 = arith.constant 0 : i32
    %dma_start3A_45 = arith.constant 0 : i32
    %dma_start3A_46 = tpu.memref_slice %arg7[%dma_start3A_44, %dma_start3A_45] : memref<37x128xf32, #tpu.memory_space<vmem_shared>> -> memref<37x128xf32, #tpu.memory_space<vmem_shared>>
    %dma_start3A_47 = tpu.memref_slice %arg8[%dma_start3A_36] : memref<6x!tpu.dma_semaphore, #tpu.memory_space<semaphore_mem>> -> memref<1x!tpu.dma_semaphore, #tpu.memory_space<semaphore_mem>>
    %dma_start3A_48 = tpu.memref_squeeze %dma_start3A_47 : memref<1x!tpu.dma_semaphore, #tpu.memory_space<semaphore_mem>> -> memref<!tpu.dma_semaphore, #tpu.memory_space<semaphore_mem>>
    tpu.enqueue_indirect_dma source(%dma_start3A_46 : memref<37x128xf32, #tpu.memory_space<vmem_shared>>) target(%dma_start3A_40 : memref<128x128xf32, #tpu.memory_space<vmem>>) offsets(%dma_start3A_43 : memref<128xi32, #tpu.memory_space<vmem>>) semaphore(%dma_start3A_48 : memref<!tpu.dma_semaphore, #tpu.memory_space<semaphore_mem>>)
    %dma_start3A_49 = arith.constant 3 : i32
    %dma_start3A_50 = arith.constant 3 : i32
    %dma_start3A_51 = arith.constant 3 : i32
    %dma_start3A_52 = arith.constant 0 : i32
    %dma_start3A_53 = arith.constant 0 : i32
    %dma_start3A_54 = tpu.memref_slice %arg6[%dma_start3A_50, %dma_start3A_52, %dma_start3A_53] : memref<6x128x128xf32, #tpu.memory_space<vmem>> -> memref<1x128x128xf32, #tpu.memory_space<vmem>>
    %dma_start3A_55 = tpu.memref_squeeze %dma_start3A_54 : memref<1x128x128xf32, #tpu.memory_space<vmem>> -> memref<128x128xf32, #tpu.memory_space<vmem>>
    %dma_start3A_56 = arith.constant 0 : i32
    %dma_start3A_57 = tpu.memref_slice %arg5[%dma_start3A_49, %dma_start3A_56] : memref<200x128xi32, #tpu.memory_space<vmem>> -> memref<1x128xi32, #tpu.memory_space<vmem>>
    %dma_start3A_58 = tpu.memref_squeeze %dma_start3A_57 : memref<1x128xi32, #tpu.memory_space<vmem>> -> memref<128xi32, #tpu.memory_space<vmem>>
    %dma_start3A_59 = arith.constant 0 : i32
    %dma_start3A_60 = arith.constant 0 : i32
    %dma_start3A_61 = tpu.memref_slice %arg7[%dma_start3A_59, %dma_start3A_60] : memref<37x128xf32, #tpu.memory_space<vmem_shared>> -> memref<37x128xf32, #tpu.memory_space<vmem_shared>>
    %dma_start3A_62 = tpu.memref_slice %arg8[%dma_start3A_51] : memref<6x!tpu.dma_semaphore, #tpu.memory_space<semaphore_mem>> -> memref<1x!tpu.dma_semaphore, #tpu.memory_space<semaphore_mem>>
    %dma_start3A_63 = tpu.memref_squeeze %dma_start3A_62 : memref<1x!tpu.dma_semaphore, #tpu.memory_space<semaphore_mem>> -> memref<!tpu.dma_semaphore, #tpu.memory_space<semaphore_mem>>
    tpu.enqueue_indirect_dma source(%dma_start3A_61 : memref<37x128xf32, #tpu.memory_space<vmem_shared>>) target(%dma_start3A_55 : memref<128x128xf32, #tpu.memory_space<vmem>>) offsets(%dma_start3A_58 : memref<128xi32, #tpu.memory_space<vmem>>) semaphore(%dma_start3A_63 : memref<!tpu.dma_semaphore, #tpu.memory_space<semaphore_mem>>)
    %scan3A = arith.constant 0 : i32
    %scan3A_64 = arith.constant 0 : i32
    %scan3A_65 = arith.constant 200 : i32
    %scan3A_66 = arith.addi %scan3A_64, %scan3A_65 : i32
    %scan3A_67 = arith.constant 1 : i32
    scf.for %scan3A_188 = %scan3A_64 to %scan3A_66 step %scan3A_67  : i32 {
      %rem3A = arith.constant 6 : i32
      %rem3A_189 = arith.remsi %scan3A_188, %rem3A : i32
      %add3A_190 = arith.constant 4 : i32
      %add3A_191 = arith.addi %scan3A_188, %add3A_190 : i32
      %lt3A = arith.constant 200 : i32
      %lt3A_192 = arith.cmpi slt, %add3A_191, %lt3A : i32
      %convert_element_type3A_193 = arith.extui %lt3A_192 : i1 to i32
      %cond3A_194 = arith.constant 0 : i32
      %cond3A_195 = arith.cmpi ne, %convert_element_type3A_193, %cond3A_194 : i32
      scf.if %cond3A_195 {
        %add3A_227 = arith.constant 4 : i32
        %add3A_228 = arith.addi %scan3A_188, %add3A_227 : i32
        %rem3A_229 = arith.constant 6 : i32
        %rem3A_230 = arith.remsi %add3A_228, %rem3A_229 : i32
        %add3A_231 = arith.constant 4 : i32
        %add3A_232 = arith.addi %scan3A_188, %add3A_231 : i32
        %ge3A = arith.constant 6 : i32
        %ge3A_233 = arith.cmpi sge, %add3A_232, %ge3A : i32
        %convert_element_type3A_234 = arith.extui %ge3A_233 : i1 to i32
        %cond3A_235 = arith.constant 0 : i32
        %cond3A_236 = arith.cmpi ne, %convert_element_type3A_234, %cond3A_235 : i32
        scf.if %cond3A_236 {
          %dma_wait3A_251 = arith.constant 0 : i32
          %dma_wait3A_252 = arith.constant 0 : i32
          %dma_wait3A_253 = tpu.memref_slice %arg6[%rem3A_230, %dma_wait3A_251, %dma_wait3A_252] : memref<6x128x128xf32, #tpu.memory_space<vmem>> -> memref<1x128x128xf32, #tpu.memory_space<vmem>>
          %dma_wait3A_254 = tpu.memref_squeeze %dma_wait3A_253 : memref<1x128x128xf32, #tpu.memory_space<vmem>> -> memref<128x128xf32, #tpu.memory_space<vmem>>
          %dma_wait3A_255 = arith.constant 0 : i32
          %dma_wait3A_256 = arith.constant 0 : i32
          %dma_wait3A_257 = tpu.memref_slice %arg4[%mul3A_2, %dma_wait3A_255, %dma_wait3A_256] : memref<6400x128x128xf32, #tpu.memory_space<hbm>> -> memref<1x128x128xf32, #tpu.memory_space<hbm>>
          %dma_wait3A_258 = tpu.memref_squeeze %dma_wait3A_257 : memref<1x128x128xf32, #tpu.memory_space<hbm>> -> memref<128x128xf32, #tpu.memory_space<hbm>>
          %dma_wait3A_259 = tpu.memref_slice %arg9[%rem3A_230] : memref<6x!tpu.dma_semaphore, #tpu.memory_space<semaphore_mem>> -> memref<1x!tpu.dma_semaphore, #tpu.memory_space<semaphore_mem>>
          %dma_wait3A_260 = tpu.memref_squeeze %dma_wait3A_259 : memref<1x!tpu.dma_semaphore, #tpu.memory_space<semaphore_mem>> -> memref<!tpu.dma_semaphore, #tpu.memory_space<semaphore_mem>>
          %dma_wait3A_261 = arith.constant 0 : i32
          %dma_wait3A_262 = arith.constant 0 : i32
          %dma_wait3A_263 = tpu.memref_slice %arg4[%mul3A_2, %dma_wait3A_261, %dma_wait3A_262] : memref<6400x128x128xf32, #tpu.memory_space<hbm>> -> memref<1x128x128xf32, #tpu.memory_space<hbm>>
          %dma_wait3A_264 = tpu.memref_squeeze %dma_wait3A_263 : memref<1x128x128xf32, #tpu.memory_space<hbm>> -> memref<128x128xf32, #tpu.memory_space<hbm>>
          %dma_wait3A_265 = arith.constant 0 : i32
          %dma_wait3A_266 = arith.constant 0 : i32
          %dma_wait3A_267 = tpu.memref_slice %arg6[%rem3A_230, %dma_wait3A_265, %dma_wait3A_266] : memref<6x128x128xf32, #tpu.memory_space<vmem>> -> memref<1x128x128xf32, #tpu.memory_space<vmem>>
          %dma_wait3A_268 = tpu.memref_squeeze %dma_wait3A_267 : memref<1x128x128xf32, #tpu.memory_space<vmem>> -> memref<128x128xf32, #tpu.memory_space<vmem>>
          tpu.wait_dma2 semaphore(%dma_wait3A_260 : memref<!tpu.dma_semaphore, #tpu.memory_space<semaphore_mem>>) src(%dma_wait3A_268 : memref<128x128xf32, #tpu.memory_space<vmem>>) dst(%dma_wait3A_264 : memref<128x128xf32, #tpu.memory_space<hbm>>)
        } else {
        }
        %add3A_237 = arith.constant 4 : i32
        %add3A_238 = arith.addi %scan3A_188, %add3A_237 : i32
        %dma_start3A_239 = arith.constant 0 : i32
        %dma_start3A_240 = arith.constant 0 : i32
        %dma_start3A_241 = tpu.memref_slice %arg6[%rem3A_230, %dma_start3A_239, %dma_start3A_240] : memref<6x128x128xf32, #tpu.memory_space<vmem>> -> memref<1x128x128xf32, #tpu.memory_space<vmem>>
        %dma_start3A_242 = tpu.memref_squeeze %dma_start3A_241 : memref<1x128x128xf32, #tpu.memory_space<vmem>> -> memref<128x128xf32, #tpu.memory_space<vmem>>
        %dma_start3A_243 = arith.constant 0 : i32
        %dma_start3A_244 = tpu.memref_slice %arg5[%add3A_238, %dma_start3A_243] : memref<200x128xi32, #tpu.memory_space<vmem>> -> memref<1x128xi32, #tpu.memory_space<vmem>>
        %dma_start3A_245 = tpu.memref_squeeze %dma_start3A_244 : memref<1x128xi32, #tpu.memory_space<vmem>> -> memref<128xi32, #tpu.memory_space<vmem>>
        %dma_start3A_246 = arith.constant 0 : i32
        %dma_start3A_247 = arith.constant 0 : i32
        %dma_start3A_248 = tpu.memref_slice %arg7[%dma_start3A_246, %dma_start3A_247] : memref<37x128xf32, #tpu.memory_space<vmem_shared>> -> memref<37x128xf32, #tpu.memory_space<vmem_shared>>
        %dma_start3A_249 = tpu.memref_slice %arg8[%rem3A_230] : memref<6x!tpu.dma_semaphore, #tpu.memory_space<semaphore_mem>> -> memref<1x!tpu.dma_semaphore, #tpu.memory_space<semaphore_mem>>
        %dma_start3A_250 = tpu.memref_squeeze %dma_start3A_249 : memref<1x!tpu.dma_semaphore, #tpu.memory_space<semaphore_mem>> -> memref<!tpu.dma_semaphore, #tpu.memory_space<semaphore_mem>>
        tpu.enqueue_indirect_dma source(%dma_start3A_248 : memref<37x128xf32, #tpu.memory_space<vmem_shared>>) target(%dma_start3A_242 : memref<128x128xf32, #tpu.memory_space<vmem>>) offsets(%dma_start3A_245 : memref<128xi32, #tpu.memory_space<vmem>>) semaphore(%dma_start3A_250 : memref<!tpu.dma_semaphore, #tpu.memory_space<semaphore_mem>>)
      } else {
      }
      %dma_wait3A_196 = arith.constant 0 : i32
      %dma_wait3A_197 = arith.constant 0 : i32
      %dma_wait3A_198 = tpu.memref_slice %arg6[%rem3A_189, %dma_wait3A_196, %dma_wait3A_197] : memref<6x128x128xf32, #tpu.memory_space<vmem>> -> memref<1x128x128xf32, #tpu.memory_space<vmem>>
      %dma_wait3A_199 = tpu.memref_squeeze %dma_wait3A_198 : memref<1x128x128xf32, #tpu.memory_space<vmem>> -> memref<128x128xf32, #tpu.memory_space<vmem>>
      %dma_wait3A_200 = arith.constant 0 : i32
      %dma_wait3A_201 = tpu.memref_slice %arg5[%scan3A_188, %dma_wait3A_200] : memref<200x128xi32, #tpu.memory_space<vmem>> -> memref<1x128xi32, #tpu.memory_space<vmem>>
      %dma_wait3A_202 = tpu.memref_squeeze %dma_wait3A_201 : memref<1x128xi32, #tpu.memory_space<vmem>> -> memref<128xi32, #tpu.memory_space<vmem>>
      %dma_wait3A_203 = arith.constant 0 : i32
      %dma_wait3A_204 = arith.constant 0 : i32
      %dma_wait3A_205 = tpu.memref_slice %arg7[%dma_wait3A_203, %dma_wait3A_204] : memref<37x128xf32, #tpu.memory_space<vmem_shared>> -> memref<37x128xf32, #tpu.memory_space<vmem_shared>>
      %dma_wait3A_206 = tpu.memref_slice %arg8[%rem3A_189] : memref<6x!tpu.dma_semaphore, #tpu.memory_space<semaphore_mem>> -> memref<1x!tpu.dma_semaphore, #tpu.memory_space<semaphore_mem>>
      %dma_wait3A_207 = tpu.memref_squeeze %dma_wait3A_206 : memref<1x!tpu.dma_semaphore, #tpu.memory_space<semaphore_mem>> -> memref<!tpu.dma_semaphore, #tpu.memory_space<semaphore_mem>>
      tpu.wait_indirect_dma semaphore(%dma_wait3A_207 : memref<!tpu.dma_semaphore, #tpu.memory_space<semaphore_mem>>) src(%dma_wait3A_205 : memref<37x128xf32, #tpu.memory_space<vmem_shared>>) dst(%dma_wait3A_199 : memref<128x128xf32, #tpu.memory_space<vmem>>)
      %add3A_208 = arith.addi %mul3A_2, %scan3A_188 : i32
      %dma_start3A_209 = arith.constant 0 : i32
      %dma_start3A_210 = arith.constant 0 : i32
      %dma_start3A_211 = tpu.memref_slice %arg6[%rem3A_189, %dma_start3A_209, %dma_start3A_210] : memref<6x128x128xf32, #tpu.memory_space<vmem>> -> memref<1x128x128xf32, #tpu.memory_space<vmem>>
      %dma_start3A_212 = tpu.memref_squeeze %dma_start3A_211 : memref<1x128x128xf32, #tpu.memory_space<vmem>> -> memref<128x128xf32, #tpu.memory_space<vmem>>
      %dma_start3A_213 = arith.constant 0 : i32
      %dma_start3A_214 = arith.constant 0 : i32
      %dma_start3A_215 = tpu.memref_slice %arg4[%add3A_208, %dma_start3A_213, %dma_start3A_214] : memref<6400x128x128xf32, #tpu.memory_space<hbm>> -> memref<1x128x128xf32, #tpu.memory_space<hbm>>
      %dma_start3A_216 = tpu.memref_squeeze %dma_start3A_215 : memref<1x128x128xf32, #tpu.memory_space<hbm>> -> memref<128x128xf32, #tpu.memory_space<hbm>>
      %dma_start3A_217 = tpu.memref_slice %arg9[%rem3A_189] : memref<6x!tpu.dma_semaphore, #tpu.memory_space<semaphore_mem>> -> memref<1x!tpu.dma_semaphore, #tpu.memory_space<semaphore_mem>>
      %dma_start3A_218 = tpu.memref_squeeze %dma_start3A_217 : memref<1x!tpu.dma_semaphore, #tpu.memory_space<semaphore_mem>> -> memref<!tpu.dma_semaphore, #tpu.memory_space<semaphore_mem>>
      %dma_start3A_219 = arith.constant 0 : i32
      %dma_start3A_220 = arith.constant 0 : i32
      %dma_start3A_221 = tpu.memref_slice %arg4[%add3A_208, %dma_start3A_219, %dma_start3A_220] : memref<6400x128x128xf32, #tpu.memory_space<hbm>> -> memref<1x128x128xf32, #tpu.memory_space<hbm>>
      %dma_start3A_222 = tpu.memref_squeeze %dma_start3A_221 : memref<1x128x128xf32, #tpu.memory_space<hbm>> -> memref<128x128xf32, #tpu.memory_space<hbm>>
      %dma_start3A_223 = arith.constant 0 : i32
      %dma_start3A_224 = arith.constant 0 : i32
      %dma_start3A_225 = tpu.memref_slice %arg6[%rem3A_189, %dma_start3A_223, %dma_start3A_224] : memref<6x128x128xf32, #tpu.memory_space<vmem>> -> memref<1x128x128xf32, #tpu.memory_space<vmem>>
      %dma_start3A_226 = tpu.memref_squeeze %dma_start3A_225 : memref<1x128x128xf32, #tpu.memory_space<vmem>> -> memref<128x128xf32, #tpu.memory_space<vmem>>
      tpu.enqueue_dma source(%dma_start3A_226 : memref<128x128xf32, #tpu.memory_space<vmem>>) target(%dma_start3A_222 : memref<128x128xf32, #tpu.memory_space<hbm>>) target_semaphore(%dma_start3A_218 : memref<!tpu.dma_semaphore, #tpu.memory_space<semaphore_mem>>)
    }
    %scan3A_68 = arith.constant 200 : i32
    %dma_wait3A = arith.constant 0 : i32
    %dma_wait3A_69 = arith.constant 0 : i32
    %dma_wait3A_70 = arith.constant 0 : i32
    %dma_wait3A_71 = arith.constant 0 : i32
    %dma_wait3A_72 = tpu.memref_slice %arg6[%dma_wait3A, %dma_wait3A_70, %dma_wait3A_71] : memref<6x128x128xf32, #tpu.memory_space<vmem>> -> memref<1x128x128xf32, #tpu.memory_space<vmem>>
    %dma_wait3A_73 = tpu.memref_squeeze %dma_wait3A_72 : memref<1x128x128xf32, #tpu.memory_space<vmem>> -> memref<128x128xf32, #tpu.memory_space<vmem>>
    %dma_wait3A_74 = arith.constant 0 : i32
    %dma_wait3A_75 = arith.constant 0 : i32
    %dma_wait3A_76 = tpu.memref_slice %arg4[%mul3A_2, %dma_wait3A_74, %dma_wait3A_75] : memref<6400x128x128xf32, #tpu.memory_space<hbm>> -> memref<1x128x128xf32, #tpu.memory_space<hbm>>
    %dma_wait3A_77 = tpu.memref_squeeze %dma_wait3A_76 : memref<1x128x128xf32, #tpu.memory_space<hbm>> -> memref<128x128xf32, #tpu.memory_space<hbm>>
    %dma_wait3A_78 = tpu.memref_slice %arg9[%dma_wait3A_69] : memref<6x!tpu.dma_semaphore, #tpu.memory_space<semaphore_mem>> -> memref<1x!tpu.dma_semaphore, #tpu.memory_space<semaphore_mem>>
    %dma_wait3A_79 = tpu.memref_squeeze %dma_wait3A_78 : memref<1x!tpu.dma_semaphore, #tpu.memory_space<semaphore_mem>> -> memref<!tpu.dma_semaphore, #tpu.memory_space<semaphore_mem>>
    %dma_wait3A_80 = arith.constant 0 : i32
    %dma_wait3A_81 = arith.constant 0 : i32
    %dma_wait3A_82 = tpu.memref_slice %arg4[%mul3A_2, %dma_wait3A_80, %dma_wait3A_81] : memref<6400x128x128xf32, #tpu.memory_space<hbm>> -> memref<1x128x128xf32, #tpu.memory_space<hbm>>
    %dma_wait3A_83 = tpu.memref_squeeze %dma_wait3A_82 : memref<1x128x128xf32, #tpu.memory_space<hbm>> -> memref<128x128xf32, #tpu.memory_space<hbm>>
    %dma_wait3A_84 = arith.constant 0 : i32
    %dma_wait3A_85 = arith.constant 0 : i32
    %dma_wait3A_86 = tpu.memref_slice %arg6[%dma_wait3A, %dma_wait3A_84, %dma_wait3A_85] : memref<6x128x128xf32, #tpu.memory_space<vmem>> -> memref<1x128x128xf32, #tpu.memory_space<vmem>>
    %dma_wait3A_87 = tpu.memref_squeeze %dma_wait3A_86 : memref<1x128x128xf32, #tpu.memory_space<vmem>> -> memref<128x128xf32, #tpu.memory_space<vmem>>
    tpu.wait_dma2 semaphore(%dma_wait3A_79 : memref<!tpu.dma_semaphore, #tpu.memory_space<semaphore_mem>>) src(%dma_wait3A_87 : memref<128x128xf32, #tpu.memory_space<vmem>>) dst(%dma_wait3A_83 : memref<128x128xf32, #tpu.memory_space<hbm>>)
    %dma_wait3A_88 = arith.constant 1 : i32
    %dma_wait3A_89 = arith.constant 1 : i32
    %dma_wait3A_90 = arith.constant 0 : i32
    %dma_wait3A_91 = arith.constant 0 : i32
    %dma_wait3A_92 = tpu.memref_slice %arg6[%dma_wait3A_88, %dma_wait3A_90, %dma_wait3A_91] : memref<6x128x128xf32, #tpu.memory_space<vmem>> -> memref<1x128x128xf32, #tpu.memory_space<vmem>>
    %dma_wait3A_93 = tpu.memref_squeeze %dma_wait3A_92 : memref<1x128x128xf32, #tpu.memory_space<vmem>> -> memref<128x128xf32, #tpu.memory_space<vmem>>
    %dma_wait3A_94 = arith.constant 0 : i32
    %dma_wait3A_95 = arith.constant 0 : i32
    %dma_wait3A_96 = tpu.memref_slice %arg4[%mul3A_2, %dma_wait3A_94, %dma_wait3A_95] : memref<6400x128x128xf32, #tpu.memory_space<hbm>> -> memref<1x128x128xf32, #tpu.memory_space<hbm>>
    %dma_wait3A_97 = tpu.memref_squeeze %dma_wait3A_96 : memref<1x128x128xf32, #tpu.memory_space<hbm>> -> memref<128x128xf32, #tpu.memory_space<hbm>>
    %dma_wait3A_98 = tpu.memref_slice %arg9[%dma_wait3A_89] : memref<6x!tpu.dma_semaphore, #tpu.memory_space<semaphore_mem>> -> memref<1x!tpu.dma_semaphore, #tpu.memory_space<semaphore_mem>>
    %dma_wait3A_99 = tpu.memref_squeeze %dma_wait3A_98 : memref<1x!tpu.dma_semaphore, #tpu.memory_space<semaphore_mem>> -> memref<!tpu.dma_semaphore, #tpu.memory_space<semaphore_mem>>
    %dma_wait3A_100 = arith.constant 0 : i32
    %dma_wait3A_101 = arith.constant 0 : i32
    %dma_wait3A_102 = tpu.memref_slice %arg4[%mul3A_2, %dma_wait3A_100, %dma_wait3A_101] : memref<6400x128x128xf32, #tpu.memory_space<hbm>> -> memref<1x128x128xf32, #tpu.memory_space<hbm>>
    %dma_wait3A_103 = tpu.memref_squeeze %dma_wait3A_102 : memref<1x128x128xf32, #tpu.memory_space<hbm>> -> memref<128x128xf32, #tpu.memory_space<hbm>>
    %dma_wait3A_104 = arith.constant 0 : i32
    %dma_wait3A_105 = arith.constant 0 : i32
    %dma_wait3A_106 = tpu.memref_slice %arg6[%dma_wait3A_88, %dma_wait3A_104, %dma_wait3A_105] : memref<6x128x128xf32, #tpu.memory_space<vmem>> -> memref<1x128x128xf32, #tpu.memory_space<vmem>>
    %dma_wait3A_107 = tpu.memref_squeeze %dma_wait3A_106 : memref<1x128x128xf32, #tpu.memory_space<vmem>> -> memref<128x128xf32, #tpu.memory_space<vmem>>
    tpu.wait_dma2 semaphore(%dma_wait3A_99 : memref<!tpu.dma_semaphore, #tpu.memory_space<semaphore_mem>>) src(%dma_wait3A_107 : memref<128x128xf32, #tpu.memory_space<vmem>>) dst(%dma_wait3A_103 : memref<128x128xf32, #tpu.memory_space<hbm>>)
    %dma_wait3A_108 = arith.constant 2 : i32
    %dma_wait3A_109 = arith.constant 2 : i32
    %dma_wait3A_110 = arith.constant 0 : i32
    %dma_wait3A_111 = arith.constant 0 : i32
    %dma_wait3A_112 = tpu.memref_slice %arg6[%dma_wait3A_108, %dma_wait3A_110, %dma_wait3A_111] : memref<6x128x128xf32, #tpu.memory_space<vmem>> -> memref<1x128x128xf32, #tpu.memory_space<vmem>>
    %dma_wait3A_113 = tpu.memref_squeeze %dma_wait3A_112 : memref<1x128x128xf32, #tpu.memory_space<vmem>> -> memref<128x128xf32, #tpu.memory_space<vmem>>
    %dma_wait3A_114 = arith.constant 0 : i32
    %dma_wait3A_115 = arith.constant 0 : i32
    %dma_wait3A_116 = tpu.memref_slice %arg4[%mul3A_2, %dma_wait3A_114, %dma_wait3A_115] : memref<6400x128x128xf32, #tpu.memory_space<hbm>> -> memref<1x128x128xf32, #tpu.memory_space<hbm>>
    %dma_wait3A_117 = tpu.memref_squeeze %dma_wait3A_116 : memref<1x128x128xf32, #tpu.memory_space<hbm>> -> memref<128x128xf32, #tpu.memory_space<hbm>>
    %dma_wait3A_118 = tpu.memref_slice %arg9[%dma_wait3A_109] : memref<6x!tpu.dma_semaphore, #tpu.memory_space<semaphore_mem>> -> memref<1x!tpu.dma_semaphore, #tpu.memory_space<semaphore_mem>>
    %dma_wait3A_119 = tpu.memref_squeeze %dma_wait3A_118 : memref<1x!tpu.dma_semaphore, #tpu.memory_space<semaphore_mem>> -> memref<!tpu.dma_semaphore, #tpu.memory_space<semaphore_mem>>
    %dma_wait3A_120 = arith.constant 0 : i32
    %dma_wait3A_121 = arith.constant 0 : i32
    %dma_wait3A_122 = tpu.memref_slice %arg4[%mul3A_2, %dma_wait3A_120, %dma_wait3A_121] : memref<6400x128x128xf32, #tpu.memory_space<hbm>> -> memref<1x128x128xf32, #tpu.memory_space<hbm>>
    %dma_wait3A_123 = tpu.memref_squeeze %dma_wait3A_122 : memref<1x128x128xf32, #tpu.memory_space<hbm>> -> memref<128x128xf32, #tpu.memory_space<hbm>>
    %dma_wait3A_124 = arith.constant 0 : i32
    %dma_wait3A_125 = arith.constant 0 : i32
    %dma_wait3A_126 = tpu.memref_slice %arg6[%dma_wait3A_108, %dma_wait3A_124, %dma_wait3A_125] : memref<6x128x128xf32, #tpu.memory_space<vmem>> -> memref<1x128x128xf32, #tpu.memory_space<vmem>>
    %dma_wait3A_127 = tpu.memref_squeeze %dma_wait3A_126 : memref<1x128x128xf32, #tpu.memory_space<vmem>> -> memref<128x128xf32, #tpu.memory_space<vmem>>
    tpu.wait_dma2 semaphore(%dma_wait3A_119 : memref<!tpu.dma_semaphore, #tpu.memory_space<semaphore_mem>>) src(%dma_wait3A_127 : memref<128x128xf32, #tpu.memory_space<vmem>>) dst(%dma_wait3A_123 : memref<128x128xf32, #tpu.memory_space<hbm>>)
    %dma_wait3A_128 = arith.constant 3 : i32
    %dma_wait3A_129 = arith.constant 3 : i32
    %dma_wait3A_130 = arith.constant 0 : i32
    %dma_wait3A_131 = arith.constant 0 : i32
    %dma_wait3A_132 = tpu.memref_slice %arg6[%dma_wait3A_128, %dma_wait3A_130, %dma_wait3A_131] : memref<6x128x128xf32, #tpu.memory_space<vmem>> -> memref<1x128x128xf32, #tpu.memory_space<vmem>>
    %dma_wait3A_133 = tpu.memref_squeeze %dma_wait3A_132 : memref<1x128x128xf32, #tpu.memory_space<vmem>> -> memref<128x128xf32, #tpu.memory_space<vmem>>
    %dma_wait3A_134 = arith.constant 0 : i32
    %dma_wait3A_135 = arith.constant 0 : i32
    %dma_wait3A_136 = tpu.memref_slice %arg4[%mul3A_2, %dma_wait3A_134, %dma_wait3A_135] : memref<6400x128x128xf32, #tpu.memory_space<hbm>> -> memref<1x128x128xf32, #tpu.memory_space<hbm>>
    %dma_wait3A_137 = tpu.memref_squeeze %dma_wait3A_136 : memref<1x128x128xf32, #tpu.memory_space<hbm>> -> memref<128x128xf32, #tpu.memory_space<hbm>>
    %dma_wait3A_138 = tpu.memref_slice %arg9[%dma_wait3A_129] : memref<6x!tpu.dma_semaphore, #tpu.memory_space<semaphore_mem>> -> memref<1x!tpu.dma_semaphore, #tpu.memory_space<semaphore_mem>>
    %dma_wait3A_139 = tpu.memref_squeeze %dma_wait3A_138 : memref<1x!tpu.dma_semaphore, #tpu.memory_space<semaphore_mem>> -> memref<!tpu.dma_semaphore, #tpu.memory_space<semaphore_mem>>
    %dma_wait3A_140 = arith.constant 0 : i32
    %dma_wait3A_141 = arith.constant 0 : i32
    %dma_wait3A_142 = tpu.memref_slice %arg4[%mul3A_2, %dma_wait3A_140, %dma_wait3A_141] : memref<6400x128x128xf32, #tpu.memory_space<hbm>> -> memref<1x128x128xf32, #tpu.memory_space<hbm>>
    %dma_wait3A_143 = tpu.memref_squeeze %dma_wait3A_142 : memref<1x128x128xf32, #tpu.memory_space<hbm>> -> memref<128x128xf32, #tpu.memory_space<hbm>>
    %dma_wait3A_144 = arith.constant 0 : i32
    %dma_wait3A_145 = arith.constant 0 : i32
    %dma_wait3A_146 = tpu.memref_slice %arg6[%dma_wait3A_128, %dma_wait3A_144, %dma_wait3A_145] : memref<6x128x128xf32, #tpu.memory_space<vmem>> -> memref<1x128x128xf32, #tpu.memory_space<vmem>>
    %dma_wait3A_147 = tpu.memref_squeeze %dma_wait3A_146 : memref<1x128x128xf32, #tpu.memory_space<vmem>> -> memref<128x128xf32, #tpu.memory_space<vmem>>
    tpu.wait_dma2 semaphore(%dma_wait3A_139 : memref<!tpu.dma_semaphore, #tpu.memory_space<semaphore_mem>>) src(%dma_wait3A_147 : memref<128x128xf32, #tpu.memory_space<vmem>>) dst(%dma_wait3A_143 : memref<128x128xf32, #tpu.memory_space<hbm>>)
    %dma_wait3A_148 = arith.constant 4 : i32
    %dma_wait3A_149 = arith.constant 4 : i32
    %dma_wait3A_150 = arith.constant 0 : i32
    %dma_wait3A_151 = arith.constant 0 : i32
    %dma_wait3A_152 = tpu.memref_slice %arg6[%dma_wait3A_148, %dma_wait3A_150, %dma_wait3A_151] : memref<6x128x128xf32, #tpu.memory_space<vmem>> -> memref<1x128x128xf32, #tpu.memory_space<vmem>>
    %dma_wait3A_153 = tpu.memref_squeeze %dma_wait3A_152 : memref<1x128x128xf32, #tpu.memory_space<vmem>> -> memref<128x128xf32, #tpu.memory_space<vmem>>
    %dma_wait3A_154 = arith.constant 0 : i32
    %dma_wait3A_155 = arith.constant 0 : i32
    %dma_wait3A_156 = tpu.memref_slice %arg4[%mul3A_2, %dma_wait3A_154, %dma_wait3A_155] : memref<6400x128x128xf32, #tpu.memory_space<hbm>> -> memref<1x128x128xf32, #tpu.memory_space<hbm>>
    %dma_wait3A_157 = tpu.memref_squeeze %dma_wait3A_156 : memref<1x128x128xf32, #tpu.memory_space<hbm>> -> memref<128x128xf32, #tpu.memory_space<hbm>>
    %dma_wait3A_158 = tpu.memref_slice %arg9[%dma_wait3A_149] : memref<6x!tpu.dma_semaphore, #tpu.memory_space<semaphore_mem>> -> memref<1x!tpu.dma_semaphore, #tpu.memory_space<semaphore_mem>>
    %dma_wait3A_159 = tpu.memref_squeeze %dma_wait3A_158 : memref<1x!tpu.dma_semaphore, #tpu.memory_space<semaphore_mem>> -> memref<!tpu.dma_semaphore, #tpu.memory_space<semaphore_mem>>
    %dma_wait3A_160 = arith.constant 0 : i32
    %dma_wait3A_161 = arith.constant 0 : i32
    %dma_wait3A_162 = tpu.memref_slice %arg4[%mul3A_2, %dma_wait3A_160, %dma_wait3A_161] : memref<6400x128x128xf32, #tpu.memory_space<hbm>> -> memref<1x128x128xf32, #tpu.memory_space<hbm>>
    %dma_wait3A_163 = tpu.memref_squeeze %dma_wait3A_162 : memref<1x128x128xf32, #tpu.memory_space<hbm>> -> memref<128x128xf32, #tpu.memory_space<hbm>>
    %dma_wait3A_164 = arith.constant 0 : i32
    %dma_wait3A_165 = arith.constant 0 : i32
    %dma_wait3A_166 = tpu.memref_slice %arg6[%dma_wait3A_148, %dma_wait3A_164, %dma_wait3A_165] : memref<6x128x128xf32, #tpu.memory_space<vmem>> -> memref<1x128x128xf32, #tpu.memory_space<vmem>>
    %dma_wait3A_167 = tpu.memref_squeeze %dma_wait3A_166 : memref<1x128x128xf32, #tpu.memory_space<vmem>> -> memref<128x128xf32, #tpu.memory_space<vmem>>
    tpu.wait_dma2 semaphore(%dma_wait3A_159 : memref<!tpu.dma_semaphore, #tpu.memory_space<semaphore_mem>>) src(%dma_wait3A_167 : memref<128x128xf32, #tpu.memory_space<vmem>>) dst(%dma_wait3A_163 : memref<128x128xf32, #tpu.memory_space<hbm>>)
    %dma_wait3A_168 = arith.constant 5 : i32
    %dma_wait3A_169 = arith.constant 5 : i32
    %dma_wait3A_170 = arith.constant 0 : i32
    %dma_wait3A_171 = arith.constant 0 : i32
    %dma_wait3A_172 = tpu.memref_slice %arg6[%dma_wait3A_168, %dma_wait3A_170, %dma_wait3A_171] : memref<6x128x128xf32, #tpu.memory_space<vmem>> -> memref<1x128x128xf32, #tpu.memory_space<vmem>>
    %dma_wait3A_173 = tpu.memref_squeeze %dma_wait3A_172 : memref<1x128x128xf32, #tpu.memory_space<vmem>> -> memref<128x128xf32, #tpu.memory_space<vmem>>
    %dma_wait3A_174 = arith.constant 0 : i32
    %dma_wait3A_175 = arith.constant 0 : i32
    %dma_wait3A_176 = tpu.memref_slice %arg4[%mul3A_2, %dma_wait3A_174, %dma_wait3A_175] : memref<6400x128x128xf32, #tpu.memory_space<hbm>> -> memref<1x128x128xf32, #tpu.memory_space<hbm>>
    %dma_wait3A_177 = tpu.memref_squeeze %dma_wait3A_176 : memref<1x128x128xf32, #tpu.memory_space<hbm>> -> memref<128x128xf32, #tpu.memory_space<hbm>>
    %dma_wait3A_178 = tpu.memref_slice %arg9[%dma_wait3A_169] : memref<6x!tpu.dma_semaphore, #tpu.memory_space<semaphore_mem>> -> memref<1x!tpu.dma_semaphore, #tpu.memory_space<semaphore_mem>>
    %dma_wait3A_179 = tpu.memref_squeeze %dma_wait3A_178 : memref<1x!tpu.dma_semaphore, #tpu.memory_space<semaphore_mem>> -> memref<!tpu.dma_semaphore, #tpu.memory_space<semaphore_mem>>
    %dma_wait3A_180 = arith.constant 0 : i32
    %dma_wait3A_181 = arith.constant 0 : i32
    %dma_wait3A_182 = tpu.memref_slice %arg4[%mul3A_2, %dma_wait3A_180, %dma_wait3A_181] : memref<6400x128x128xf32, #tpu.memory_space<hbm>> -> memref<1x128x128xf32, #tpu.memory_space<hbm>>
    %dma_wait3A_183 = tpu.memref_squeeze %dma_wait3A_182 : memref<1x128x128xf32, #tpu.memory_space<hbm>> -> memref<128x128xf32, #tpu.memory_space<hbm>>
    %dma_wait3A_184 = arith.constant 0 : i32
    %dma_wait3A_185 = arith.constant 0 : i32
    %dma_wait3A_186 = tpu.memref_slice %arg6[%dma_wait3A_168, %dma_wait3A_184, %dma_wait3A_185] : memref<6x128x128xf32, #tpu.memory_space<vmem>> -> memref<1x128x128xf32, #tpu.memory_space<vmem>>
    %dma_wait3A_187 = tpu.memref_squeeze %dma_wait3A_186 : memref<1x128x128xf32, #tpu.memory_space<vmem>> -> memref<128x128xf32, #tpu.memory_space<vmem>>
    tpu.wait_dma2 semaphore(%dma_wait3A_179 : memref<!tpu.dma_semaphore, #tpu.memory_space<semaphore_mem>>) src(%dma_wait3A_187 : memref<128x128xf32, #tpu.memory_space<vmem>>) dst(%dma_wait3A_183 : memref<128x128xf32, #tpu.memory_space<hbm>>)
    return
  }
}

</mosaic_0001>

<sc_bundles>
// kernel: kernel.3.cloned.1.call-start
scs
__scs_entry_jumppad:
0x0: {  	(pc) =	sbr.rel $0x88, $3  }
0x1: {  	(tag) =	ssettag $0x0;
	lr =	simm.s32 $0x1  }
0x2: {  	[smem:$0x3F9F] =	sst lr;
	_ =	strace $0xD0000000  }
0x3: {  	_ = 	snop  }
0x4: {  	_ = 	snop  }
0x5: {  	_ = 	snop  }
0x6: {  	_ = 	snop  }
0x7: {  	_ = 	snop  }
__scs_overlays_trampoline_lowered:
0x8: {  	[smem:$0x3FAE] =	sst s0  }
0x9: {  	[smem:$0x3FAF] =	sst s1  }
0xa: {  	[smem:$0x3FB0] =	sst s2  }
0xb: {  	[smem:$0x3FB1] =	sst s3  }
0xc: {  	[smem:$0x3FB2] =	sst s4  }
0xd: {  	[smem:$0x3FB3] =	sst s5  }
0xe: {  	[smem:$0x3FB4] =	sst s6  }
0xf: {  	[smem:$0x3FB5] =	sst s7  }
0x10: {  	[smem:$0x3FB6] =	sst s8  }
0x11: {  	[smem:$0x3FB7] =	sst s9;
	s0 =	simm.s32 @!p0 $0x0  }
0x12: {  	s1 =	sld [smem:$0x3F9D];
	s0 =	simm.s32 @p0 $0x1  }
0x13: {  	[smem:$0x3FB8] =	sst s0;
	s0 =	simm.s32 @!p1 $0x0  }
0x14: {  	s2 =	sld [smem:$0x3F9C];
	s0 =	simm.s32 @p1 $0x1  }
0x15: {  	[smem:$0x3FB9] =	sst s0;
	s0 =	simm.s32 @!p2 $0x0  }
0x16: {  	s3 =	sld [smem:$0x3FDB];
	s0 =	simm.s32 @p2 $0x1  }
0x17: {  	s4 =	simm.s32 $0x1BF5;
	[smem:$0x3FBB] =	sst s0  }
0x18: {  	s0 =	sld [smem:$0x3F9E];
	_ =	swait.ge [sflag:s4], $0x0  }
0x19: {  	s7 =	sld [smem:$0x3F9F]  }
0x1a: {  	s8 =	sadd.s32 $0xFFFFE003, lr  }
0x1b: {  	s9 =	sadd.s32 $0xFFFFFEF7, lr;
	s5 =	simm.s32 $0xFFFFFFFF;
	p2 =	slt.u32 s8, $0xFFFFF086  }
0x1c: {  	p1 =	slt.u32 s9, $0xF7A;
	s5 =	simm.s32 @!p2 $0x0  }
0x1d: {  	s5 =	simm.s32 @p1 $0x1;
	p0 =	seq.s32 s7, s2  }
0x1e: {  	s7 =	smul.u32 @!p0 $0xF7A, s2;
	p2 =	seq.s32 @!p0 s5, $0x0  }
0x1f: {  	s9 =	smul.u32 $0xF7A, s1;
	s8 =	simm.s32 @!p0 $0x1BF5;
	p2 =	por !p2, p0  }
0x20: {  	[sflag:s8] =	ssyncset.s32 @!p0 $0xFFFFF086;
	s6 =	sadd.s32 @!p0 s3, s7;
	s7 =	simm.s32 @!p0 $0x108  }
0x21: {  	s3 =	sadd.s32 s3, s9;
	s6 =	sadd.s32 @!p0 $0x88, s6;
	s7 =	simm.s32 @p2 $0x1082  }
0x22: {  	[simem:s7], [sflag:s8] =	dma.local @!p0 [hbm:s6], $0xF7A  }
0x23: {  	s9 =	sor.u32 $0xD0000000, s2;
	s6 =	simm.s32 $0x108;
	_ =	swait.ge @!p0 [sflag:s8], $0x0  }
0x24: {  	s3 =	sadd.s32 $0x88, s3;
	s6 =	simm.s32 @!p1 $0x1082;
	[sflag:s4] =	ssyncset.s32 $0xFFFFF086  }
0x25: {  	[simem:s6], [sflag:s4] =	dma.local [hbm:s3], $0xF7A  }
0x26: {  	[smem:$0x3F9F] =	sst s1;
	(tag) =	ssettag s2;
	_ =	strace s9  }
0x27: {  	s1 =	sld [smem:$0x3FAF]  }
0x28: {  	s2 =	sld [smem:$0x3FB0]  }
0x29: {  	s4 =	sld [smem:$0x3FB2]  }
0x2a: {  	p0 =	seq.s32 s5, $0x0;
	s5 =	sld [smem:$0x3FB3]  }
0x2b: {  	s6 =	sld [smem:$0x3FB4]  }
0x2c: {  	s7 =	sld [smem:$0x3FB5]  }
0x2d: {  	s3 =	simm.s32 $0x108;
	s8 =	sld [smem:$0x3FB6]  }
0x2e: {  	s3 =	simm.s32 @!p0 $0x1082;
	s9 =	sld [smem:$0x3FB7]  }
0x2f: {  	lr =	sadd.s32 s0, s3;
	s0 =	sld [smem:$0x3FAE]  }
0x30: {  	s3 =	sld [smem:$0x3FB1]  }
0x31: {  	[smem:$0x3FBA] =	sst s10  }
0x32: {  	s10 =	sld [smem:$0x3FB8];
	_ =	sdelay $0x3  }
0x33: {  	p0 =	seq.s32 s10, $0x1;
	s10 =	sld [smem:$0x3FBA];
	_ =	sdelay $0x3  }
0x34: {  	[smem:$0x3FBA] =	sst s10  }
0x35: {  	s10 =	sld [smem:$0x3FB9];
	_ =	sdelay $0x3  }
0x36: {  	p1 =	seq.s32 s10, $0x1;
	s10 =	sld [smem:$0x3FBA];
	_ =	sdelay $0x3  }
0x37: {  	[smem:$0x3FBA] =	sst s10  }
0x38: {  	s10 =	sld [smem:$0x3FBB]  }
0x39: {  	_ = 	snop;
	(pc) =	sbr.ind lr, $3  }
0x3a: {  	_ = 	snop  }
0x3b: {  	_ = 	snop  }
0x3c: {  	p2 =	seq.s32 s10, $0x1;
	s10 =	sld [smem:$0x3FBA]  }
0x3d: {  	_ =	shalt  }
0x3e: {  	_ =	shalt  }
0x3f: {  	_ =	shalt  }
0x40: {  	_ =	shalt  }
0x41: {  	_ =	shalt  }
0x42: {  	_ =	shalt  }
0x43: {  	_ =	shalt  }
0x44: {  	_ =	shalt  }
0x45: {  	_ =	shalt  }
0x46: {  	_ =	shalt  }
0x47: {  	_ =	shalt  }
0x48: {  	_ =	shalt  }
0x49: {  	_ =	shalt  }
0x4a: {  	_ =	shalt  }
0x4b: {  	_ =	shalt  }
0x4c: {  	_ =	shalt  }
0x4d: {  	_ =	shalt  }
0x4e: {  	_ =	shalt  }
0x4f: {  	_ =	shalt  }
0x50: {  	_ =	shalt  }
0x51: {  	_ =	shalt  }
0x52: {  	_ =	shalt  }
0x53: {  	_ =	shalt  }
0x54: {  	_ =	shalt  }
0x55: {  	_ =	shalt  }
0x56: {  	_ =	shalt  }
0x57: {  	_ =	shalt  }
0x58: {  	_ =	shalt  }
0x59: {  	_ =	shalt  }
0x5a: {  	_ =	shalt  }
0x5b: {  	_ =	shalt  }
0x5c: {  	_ =	shalt  }
0x5d: {  	_ =	shalt  }
0x5e: {  	_ =	shalt  }
0x5f: {  	_ =	shalt  }
0x60: {  	_ =	shalt  }
0x61: {  	_ =	shalt  }
0x62: {  	_ =	shalt  }
0x63: {  	_ =	shalt  }
0x64: {  	_ =	shalt  }
0x65: {  	_ =	shalt  }
0x66: {  	_ =	shalt  }
0x67: {  	_ =	shalt  }
0x68: {  	_ =	shalt  }
0x69: {  	_ =	shalt  }
0x6a: {  	_ =	shalt  }
0x6b: {  	_ =	shalt  }
0x6c: {  	_ =	shalt  }
0x6d: {  	_ =	shalt  }
0x6e: {  	_ =	shalt  }
0x6f: {  	_ =	shalt  }
0x70: {  	_ =	shalt  }
0x71: {  	_ =	shalt  }
0x72: {  	_ =	shalt  }
0x73: {  	_ =	shalt  }
0x74: {  	_ =	shalt  }
0x75: {  	_ =	shalt  }
0x76: {  	_ =	shalt  }
0x77: {  	_ =	shalt  }
0x78: {  	_ =	shalt  }
0x79: {  	_ =	shalt  }
0x7a: {  	_ =	shalt  }
0x7b: {  	_ =	shalt  }
0x7c: {  	_ =	shalt  }
0x7d: {  	_ =	shalt  }
0x7e: {  	_ =	shalt  }
0x7f: {  	_ =	shalt  }
0x80: {  	_ =	shalt  }
0x81: {  	_ =	shalt  }
0x82: {  	_ =	shalt  }
0x83: {  	_ =	shalt  }
0x84: {  	_ =	shalt  }
0x85: {  	_ =	shalt  }
0x86: {  	_ =	shalt  }
0x87: {  	_ =	shalt  }
.Lfunc_end0:
.L_simem_size_0:
called_computation_lowered:
.L_overlay_start_0:
0x88: {  	s2 =	sld [smem:$0x3FD9]  }
0x89: {  	s3 =	sld [smem:$0x3FFE];
	_ =	sdelay $0x1  }
0x8a: {  	s1 =	srdreg.scid  }
0x8b: {  	s0 =	sand.u32 $0x1, s1  }
0x8c: {  	s17 =	sshll.u32 s0, $0xA;
	s2 =	sadd.s32 s3, s2  }
0x8d: {  	s2 =	sadd.s32 s2, s17  }
0x8e: {  	[smem:$0x3FC6] =	sst s2  }
0x8f: {  	_ = 	snop  }
0x90: {  	s2 =	sld [smem:$0x3FD0];
	(tm) =	ssettm $0x1  }
0x91: {  	s18 =	sld [smem:$0x3FFB];
	_ =	sdelay $0x3  }
0x92: {  	_ =	strace s18  }
0x93: {  	s3 =	sld [smem:$0x3FFC];
	_ =	sdelay $0x3  }
0x94: {  	_ =	strace s3  }
0x95: {  	s3 =	sld [smem:$0x3FFD];
	_ =	sdelay $0x3  }
0x96: {  	_ =	strace s3  }
0x97: {  	_ =	strace $0x8FFFFFFF  }
0x98: {  	s19 =	sld [smem:$0x3FDB];
	_ =	sdelay $0x1  }
0x99: {  	s4 =	simm.s32 $_scs_section_size  }
0x9a: {  	s5 =	simm.s32 $_size__tile_overlayer_lowered;
	s6 =	simm.s32 $_tile_overlayer_lowered  }
0x9b: {  	s22 =	simm.s32 $0x1BFF;
	s21 =	sshll.u32 s6, $0x1;
	s3 =	sadd.s32 s4, s19  }
0x9c: {  	s7 =	simm.s32 $0x0;
	s20 =	sshll.u32 s5, $0x1;
	s5 =	sadd.s32 s21, s3  }
0x9d: {  	[timem:s7], [sflag:s22] =	dma.local [hbm:s5], s20  }
0x9e: {  	_ =	swait.ge [sflag:s22], s20  }
0x9f: {  	s4 =	ssub.s32 $0x0, s20;
	[sflag:s22] =	ssyncset.done $0x0  }
0xa0: {  	[sflag:s22] =	ssyncadd.s32 s4;
	_ =	sdelay $0x1  }
0xa1: {  	s23 =	simm.s32 $0x1B8B  }
0xa2: {  	_ =	swait.ge [sflag:s23], $0x1  }
0xa3: {  	[sflag:s23] =	ssyncset.done $0x0  }
0xa4: {  	s25 =	simm.s32 $0x1B8E;
	s24 =	sld [smem:$0x3FFE];
	[sflag:s23] =	ssyncadd.s32 $0xFFFFFFFF  }
0xa5: {  	s26 =	simm.s32 $execute0_lowered;
	[smem:$0x3FD2] =	sst s25  }
0xa6: {  	s5 =	sshll.u32 s26, $0x1;
	_ =	strace $0x80000046;
	[dreg:$0x1] =	wrdreg $0xFFFFFFFF  }
0xa7: {  	s28 =	simm.s32 $_size_execute0_lowered;
	s3 =	sadd.s32 s3, s5;
	[dreg:$0x0] =	wrdreg $0x0  }
0xa8: {  	s5 =	sshll.u32 s28, $0x1;
	[dreg:$0x2] =	wrdreg s3  }
0xa9: {  	[dreg:$0x3] =	wrdreg s5  }
0xaa: {  	[dreg:$0x4] =	wrdreg $0xC0  }
0xab: {  	_ =	task [dreg:s7], $0x5FFFF  }
0xac: {  	[dreg:$0x1] =	wrdreg $0xFFFFFFFF  }
0xad: {  	[dreg:$0x0] =	wrdreg $0x60  }
0xae: {  	[dreg:$0x2] =	wrdreg s24  }
0xaf: {  	[dreg:$0x3] =	wrdreg s2  }
0xb0: {  	[dreg:$0x4] =	wrdreg $0x1E4000  }
0xb1: {  	[dreg:$0x5] =	wrdreg $0x9  }
0xb2: {  	_ =	task.clear_ibuf [dreg:s7], $0x6FFFF;
	_ =	strace $0x90000046  }
0xb3: {  	s29 =	simm.s32 $0x9;
	_ =	strace $0x80000048  }
0xb4: {  	_ =	swait.ge [sflag:s29], $0x1  }
0xb5: {  	[sflag:s29] =	ssyncadd.s32 $0xFFFFFFFF  }
0xb6: {  	_ =	strace $0x90000048  }
0xb7: {  	_ =	sfence  }
0xb8: {  	s30 =	sld [smem:$0x0];
	_ =	sdelay $0x2  }
0xb9: {  	s31 =	sshll.u32 s1, $0xD;
	s1 =	sshrl.u32 s1, $0x2  }
0xba: {  	s3 =	sand.u32 $0x4000, s31;
	s1 =	sadd.s32 s1, s30  }
0xbb: {  	s0 =	sor.u32 s3, s0;
	s1 =	sshll.u32 s1, $0x11  }
0xbc: {  	s0 =	sor.u32 s1, s0  }
0xbd: {  	s0 =	sadd.s32 $0x8F2B, s0  }
0xbe: {  	[sflag:s0] =	ssyncadd.remote.s32 $0x1  }
0xbf: {  	_ =	sfence.sel $0xFFFF  }
0xc0: {  	[dreg:$0x0] =	wrdreg $0xFFFFFFFF;
	(pc) =	sbr.abs _section_cstart, $3  }
0xc1: {  	[dreg:$0x1] =	wrdreg $0xFFFFFFFF  }
0xc2: {  	_ =	task.clear_ibuf [dreg:s7], $0x2FFFF;
	_ =	strace $0x9FFFFFFF  }
0xc3: {  	(tm) =	ssettm $0x7FFFFFFF  }
tec
execute0_lowered:
.L_overlay_start_1:
0x0: {  	(tag) =	ssettag $0x1  }
0x1: {  	s0 =	rddreg [dreg:$0x0]  }
0x2: {  	s5 =	rddreg [dreg:$0x1]  }
0x3: {  	s2 =	srdreg.scid;
	s6 =	stileid.u32  }
0x4: {  	s1 =	rddreg [dreg:$0x2];
	s13 =	simm.s32 $0xE400;
	s14 =	simm.s32 $0x180  }
0x5: {  	s15 =	simm.s32 $0x12400;
	s16 =	simm.s32 $0x7;
	s17 =	simm.s32 $0x8  }
0x6: {  	s18 =	simm.s32 $0x9;
	s19 =	simm.s32 $0xA;
	s20 =	simm.s32 $0xB  }
0x7: {  	s21 =	simm.s32 $0xC;
	s22 =	simm.s32 $0x0;
	s4 =	sand.u32 $0x1, s2  }
0x8: {  	s3 =	sshll.u32 s6, $0x1;
	s2 =	simm.s32 $0x0;
	s10 =	smul.u32 $0xC8000, s6  }
0x9: {  	p0 =	sne.s32 s6, $0x0;
	s3 =	sor.u32 s4, s3;
	s30 =	smul.u32 $0x64000, s4  }
0xa: {  	[smem:$0x7FF] =	sst s2;
	s7 =	ssub.s32 $0x2, s4;
	s3 =	smul.u32 $0xC80, s3  }
0xb: {  	_ =	strace $0x80000047;
	s9 =	sshrl.u32 s7, $0x1;
	s31 =	sadd.s32 s10, s5  }
0xc: {  	s29 =	ssub.s32 s7, s9;
	s6 =	sadd.s32 s30, s31;
	s7 =	sshrl.u32 @!p0 s1, $0x3  }
0xd: {  	s9 =	simm.s32 $0x80;
	s8 =	sadd.s32 s3, s0;
	s3 =	sadd.s32 $0x19800, s0  }
0xe: {  	s5 =	smax.u32 s29, $0x1;
	s4 =	sadd.s32 $0x800, s8;
	s8 =	simm.s32 $0xD  }
.LBB2_1:
0xf: {  	s0 =	simm.s32 @!p0 $0x1C0D  }
0x10: {  	[spmem:s7], [sflag:s0] =	dma.local @!p0 [hbm:s3], $0x250  }
0x11: {  	s0 =	simm.s32 @!p0 $0xD  }
0x12: {  	s26 =	simm.s32 $0x6400;
	_ =	swait.ge @!p0 [sflag:s0], $0x250  }
0x13: {  	s10 =	simm.s32 $0xA400;
	p1 =	por $0x0, $0x0;
	[sflag:s0] =	ssyncset.done @!p0 $0x0  }
0x14: {  	s23 =	smul.u32 $0xAB, s2;
	[sflag:s0] =	ssyncadd.s32 @!p0 $0xFFFFFDB0;
	s0 =	simm.s32 $0x4  }
0x15: {  	[tilespmem:s2], [sflag:$0xD] =	stream.linear.gather [hbm4b:s4+s2], $0x6400, $0x38;
	[tilespmem:$0x1E528] =	vst v63  }
0x16: {  	s11 =	simm.s32 $0x100;
	s28 =	simm.s32 $0x200;
	s0 =	smul.u32 @!p1 $0xAB, s0  }
0x17: {  	s24 =	simm.s32 $0x1;
	s25 =	sshrl.u32 s23, $0xA;
	_ =	swait.ge [sflag:s8], $0x6400  }
0x18: {  	s25 =	sand.u32 $0x3F, s25;
	[sflag:s8] =	ssyncset.done $0x0;
	s0 =	sshrl.u32 @!p1 s0, $0xA  }
0x19: {  	s25 =	smul.u32 $0x6, s25;
	[sflag:s8] =	ssyncadd.s32 $0xFFFF9C00;
	s0 =	sand.u32 @!p1 $0x3F, s0  }
0x1a: {  	p2 =	por @!p1 $0x1, $0x1;
	[bflag:$0x0] =	sbarrier.arrive $0xFFFF;
	s0 =	smul.u32 @!p1 $0x6, s0  }
0x1b: {  	[tilespmem:s26], [sflag:$0x1] =	stream.indirect.gather [spmem:s1], $0x80, s2, s9, $0xb8;
	[tilespmem:$0x1E528] =	vst v63  }
0x1c: {  	s23 =	simm.s32 $0x280;
	s25 =	ssub.s32 $0x0, s25;
	s0 =	ssub.s32 @!p1 $0x4, s0  }
0x1d: {  	[tilespmem:s10], [sflag:$0x2] =	stream.indirect.gather [spmem:s1], $0x80, s9, s9, $0xb8;
	[tilespmem:$0x1E528] =	vst v63  }
0x1e: {  	p2 =	por p2, p1;
	s31 =	sand.u32 $0xFF, s25;
	s0 =	sand.u32 @!p1 $0xFF, s0  }
0x1f: {  	[tilespmem:s13], [sflag:$0x3] =	stream.indirect.gather [spmem:s1], $0x80, s11, s9, $0xb8;
	[tilespmem:$0x1E528] =	vst v63  }
0x20: {  	s25 =	sadd.s32 $0x800, s6;
	s12 =	sshll.u32 s31, $0xE;
	s29 =	sadd.s32 @!p2 $0x7, s0  }
0x21: {  	[tilespmem:s15], [sflag:$0x4] =	stream.indirect.gather [spmem:s1], $0x80, s14, s9, $0xb8;
	[tilespmem:$0x1E528] =	vst v63  }
0x22: {  	s26 =	simm.s32 $0x2;
	s10 =	sadd.s32 $0x1, s31;
	_ =	swait.ge @!p2 [sflag:s29], $0x4000  }
0x23: {  	s30 =	sshll.u32 @!p1 s0, $0xE;
	s0 =	sadd.s32 @!p1 $0x1, s0;
	[sflag:s29] =	ssyncset.done @!p2 $0x0  }
0x24: {  	s30 =	sadd.s32 @!p1 $0x6400, s30;
	[sflag:s29] =	ssyncadd.s32 @!p2 $0xFFFFC000;
	s29 =	simm.s32 @!p1 $0x80  }
0x25: {  	[tilespmem:s30], [sflag:s0] =	stream.indirect.gather @!p1 [spmem:s1], $0x80, s28, s29, $0xb8;
	[tilespmem:$0x1E528] =	vst v63  }
0x26: {  	s30 =	sadd.s32 $0x7, s31;
	s29 =	simm.s32 $0x5;
	_ =	swait.ge [sflag:s10], $0x4000  }
0x27: {  	p1 =	por $0x0, $0x0;
	s0 =	sadd.s32 $0x6400, s12;
	[sflag:s10] =	ssyncset.done $0x0  }
0x28: {  	s28 =	smov.u32 s6;
	s31 =	smul.u32 @!p1 $0xAB, s29;
	[sflag:s10] =	ssyncadd.s32 $0xFFFFC000  }
.LBB2_2:
0x29: {  	[hbm4b:s28+s2] =	stream.linear.scatter [tilespmem:s0], [sflag:s30], $0x4000, $0x38;
	[tilespmem:$0x1E528] =	vst v63  }
0x2a: {  	s0 =	smov.u32 s24;
	s24 =	smov.u32 s26;
	s10 =	smov.u32 s23  }
0x2b: {  	s26 =	sadd.s32 $0x1, s26;
	s28 =	smov.u32 s25;
	s30 =	sshrl.u32 @!p1 s31, $0xA  }
0x2c: {  	p2 =	sne.s32 s26, $0xC8;
	s31 =	smul.u32 $0xAB, s0;
	s30 =	sand.u32 @!p1 $0x3F, s30  }
0x2d: {  	s30 =	smul.u32 @!p1 $0x6, s30  }
0x2e: {  	s23 =	sadd.s32 $0x80, s23;
	s25 =	sadd.s32 $0x800, s25;
	s31 =	sshrl.u32 s31, $0xA  }
0x2f: {  	p3 =	slt.u32 @!p1 s0, $0x2;
	s31 =	sand.u32 $0x3F, s31;
	s29 =	ssub.s32 @!p1 s29, s30  }
0x30: {  	p3 =	por p3, p1;
	s30 =	smul.u32 $0x6, s31;
	s29 =	sand.u32 @!p1 $0xFF, s29  }
0x31: {  	s31 =	sadd.s32 @!p3 $0x7, s29;
	s11 =	sshll.u32 @!p1 s29, $0xE;
	s29 =	sadd.s32 @!p1 $0x1, s29  }
0x32: {  	s0 =	ssub.s32 s0, s30;
	_ =	swait.ge @!p3 [sflag:s31], $0x4000;
	s11 =	sadd.s32 @!p1 $0x6400, s11  }
0x33: {  	s30 =	simm.s32 @!p1 $0x80;
	s0 =	sand.u32 $0xFF, s0;
	[sflag:s31] =	ssyncset.done @!p3 $0x0  }
.Ltmp0:
0x34: {  	s12 =	sadd.s32 $0x1, s0;
	[sflag:s31] =	ssyncadd.s32 @!p3 $0xFFFFC000;
	(pc) =	sbr.rel @p2 .LBB2_2-.Ltmp0, $4  }
0x35: {  	[tilespmem:s11], [sflag:s29] =	stream.indirect.gather @!p1 [spmem:s1], $0x80, s10, s30, $0xb8;
	[tilespmem:$0x1E528] =	vst v63  }
0x36: {  	s30 =	sadd.s32 $0x7, s0;
	s0 =	sshll.u32 s0, $0xE;
	_ =	swait.ge [sflag:s12], $0x4000  }
0x37: {  	s29 =	sadd.s32 $0x4, s24;
	p1 =	sgt.u32 s24, $0xC3;
	[sflag:s12] =	ssyncset.done $0x0  }
0x38: {  	s31 =	smul.u32 @!p1 $0xAB, s29;
	s0 =	sadd.s32 $0x6400, s0;
	[sflag:s12] =	ssyncadd.s32 $0xFFFFC000  }
0x39: {  	[hbm4b:s28+s2] =	stream.linear.scatter [tilespmem:s0], [sflag:s30], $0x4000, $0x38;
	[tilespmem:$0x1E528] =	vst v63  }
0x3a: {  	s10 =	smul.u32 $0xAB, s24;
	s0 =	sshrl.u32 @!p1 s31, $0xA  }
0x3b: {  	s0 =	sand.u32 @!p1 $0x3F, s0  }
0x3c: {  	s10 =	sshrl.u32 s10, $0xA;
	s0 =	smul.u32 @!p1 $0x6, s0  }
0x3d: {  	s10 =	sand.u32 $0x3F, s10  }
0x3e: {  	p2 =	slt.u32 @!p1 s24, $0x2;
	s10 =	smul.u32 $0x6, s10;
	s0 =	ssub.s32 @!p1 s29, s0  }
0x3f: {  	p2 =	por p2, p1;
	s0 =	sand.u32 @!p1 $0xFF, s0  }
0x40: {  	s10 =	ssub.s32 s24, s10;
	s11 =	sadd.s32 @!p2 $0x7, s0  }
0x41: {  	s12 =	sshll.u32 @!p1 s0, $0xE;
	s0 =	sadd.s32 @!p1 $0x1, s0;
	_ =	swait.ge @!p2 [sflag:s11], $0x4000  }
0x42: {  	s10 =	sand.u32 $0xFF, s10;
	s12 =	sadd.s32 @!p1 $0x6400, s12;
	[sflag:s11] =	ssyncset.done @!p2 $0x0  }
0x43: {  	s30 =	sadd.s32 $0x1, s10;
	[sflag:s11] =	ssyncadd.s32 @!p2 $0xFFFFC000;
	s11 =	simm.s32 @!p1 $0x80  }
0x44: {  	[tilespmem:s12], [sflag:s0] =	stream.indirect.gather @!p1 [spmem:s1], $0x80, s23, s11, $0xb8;
	[tilespmem:$0x1E528] =	vst v63  }
0x45: {  	_ =	swait.ge [sflag:s30], $0x4000  }
0x46: {  	s31 =	sshll.u32 s10, $0xE;
	[sflag:s30] =	ssyncset.done $0x0  }
0x47: {  	s10 =	sadd.s32 $0x7, s10;
	s0 =	sadd.s32 $0x6400, s31;
	[sflag:s30] =	ssyncadd.s32 $0xFFFFC000  }
0x48: {  	[hbm4b:s25+s2] =	stream.linear.scatter [tilespmem:s0], [sflag:s10], $0x4000, $0x38;
	[tilespmem:$0x1E528] =	vst v63  }
0x49: {  	_ =	swait.ge [sflag:s16], $0x4000  }
0x4a: {  	[sflag:s16] =	ssyncset.done $0x0  }
0x4b: {  	[sflag:s16] =	ssyncadd.s32 $0xFFFFC000  }
0x4c: {  	_ =	swait.ge [sflag:s17], $0x4000  }
0x4d: {  	[sflag:s17] =	ssyncset.done $0x0  }
0x4e: {  	[sflag:s17] =	ssyncadd.s32 $0xFFFFC000  }
0x4f: {  	_ =	swait.ge [sflag:s18], $0x4000  }
0x50: {  	[sflag:s18] =	ssyncset.done $0x0  }
0x51: {  	[sflag:s18] =	ssyncadd.s32 $0xFFFFC000  }
0x52: {  	_ =	swait.ge [sflag:s19], $0x4000  }
0x53: {  	[sflag:s19] =	ssyncset.done $0x0  }
0x54: {  	s22 =	sadd.s32 $0x1, s22;
	[sflag:s19] =	ssyncadd.s32 $0xFFFFC000  }
0x55: {  	p1 =	sne.s32 s22, s5;
	_ =	swait.ge [sflag:s20], $0x4000  }
.Ltmp1:
0x56: {  	[sflag:s20] =	ssyncset.done $0x0;
	(pc) =	sbr.rel @p1 .LBB2_1-.Ltmp1, $4  }
0x57: {  	[sflag:s20] =	ssyncadd.s32 $0xFFFFC000  }
0x58: {  	_ =	swait.ge [sflag:s21], $0x4000  }
0x59: {  	[sflag:s21] =	ssyncset.done $0x0  }
0x5a: {  	[sflag:s21] =	ssyncadd.s32 $0xFFFFC000  }
0x5b: {  	_ =	sfence.sel $0x180000  }
0x5c: {  	[bflag:$0x0] =	sbarrier.arrive $0xFFFF  }
0x5d: {  	_ =	strace $0x90000047  }
0x5e: {  	[bflag:$0x2] =	sbarrier.arrive $0xFFFF  }
0x5f: {  	s0 =	rddreg [dreg:$0x3]  }
0x60: {  	s0 =	sadd.s32 @!p0 $0x100000, s0  }
0x61: {  	[sflag:s0] =	ssyncadd.tile.s32 @!p0 $0x1;
	_ =	shalt  }
.Lfunc_end2:
_tile_overlayer_lowered:
.L_overlay_start_2:
0x62: {  	(tag) =	ssettag $0x2  }
0x63: {  	s0 =	rddreg [dreg:$0x0];
	s2 =	stileid.u32  }
0x64: {  	s1 =	rddreg [dreg:$0x1];
	p0 =	sne.s32 s2, $0x0  }
0x65: {  	s3 =	rddreg [dreg:$0x2];
	[bflag:$0x3] =	sbarrier.arrive $0xFFFF;
	s2 =	simm.s32 @!p0 $0x1C0D  }
0x66: {  	[timem:s3], [sflag:s2] =	dma.local @!p0 [hbm:s0], s1  }
0x67: {  	s0 =	simm.s32 @!p0 $0xD  }
0x68: {  	_ =	swait.ge @!p0 [sflag:s0], s1  }
0x69: {  	s1 =	ssub.s32 @!p0 $0x0, s1;
	[sflag:s0] =	ssyncset.done @!p0 $0x0  }
0x6a: {  	[sflag:s0] =	ssyncadd.s32 @!p0 s1  }
0x6b: {  	[bflag:$0x3] =	sbarrier.arrive $0xFFFF  }
0x6c: {  	_ =	shalt  }

</sc_bundles>
